<compile_context>
chip_gen: v7x
topology: tpu7x:2x2x1
jax: 0.10.2.dev20260603
libtpu: 0.0.44.dev20260713+nightly
codegen_flags: <defaults>
</compile_context>

<pallas_src>
import functools

import numpy as np
import jax
import jax.numpy as jnp
from jax.experimental import pallas as pl
from jax.experimental.pallas import tpu as pltpu
from jax.experimental.pallas import tpu_sc as plsc

_B, _F, _V, _D = 4096, 26, 100000, 16
_I, _J = np.triu_indices(_F, k=1)
_P = _I.shape[0]

_T = [np.where(np.arange(_P) % 4 == t)[0] for t in range(4)]
_PERM = np.concatenate(_T)
_N0, _N1, _N2, _N3 = (len(t) for t in _T)

_S0 = np.zeros((_F, _N0), np.float32)
for _q, _p in enumerate(_T[0]):
    _S0[_I[_p], _q] += 1.0
    _S0[_J[_p], _q] += 1.0


def _onehot(plist, sel):
    m = np.zeros((_F, len(plist)), np.float32)
    for q, p in enumerate(plist):
        m[sel[p], q] = 1.0
    return m


_SI1, _SJ1 = _onehot(_T[1], _I), _onehot(_T[1], _J)
_SI2, _SJ2 = _onehot(_T[2], _I), _onehot(_T[2], _J)
_SI3, _SJ3 = _onehot(_T[3], _I), _onehot(_T[3], _J)
_S2SEL = np.zeros((_N2 * _D, _N2), np.float32)
for _q in range(_N2):
    _S2SEL[_q * _D:(_q + 1) * _D, _q] = 1.0

_BS = 256
_NW = 32
_GW = 128
_LANES = _F * 128

_LF = np.arange(_LANES) // 128
_LK = (np.arange(_LANES) % 128) // 16
_LD = np.arange(_LANES) % 16
_REXP = np.zeros((_F, _LANES), np.float32)
_REXP[_LF, np.arange(_LANES)] = 1.0
_KLANE = _LK.astype(np.float32)[None, :]
_CMP = np.zeros((_LANES, _F * 16), np.float32)
_CMP[np.arange(_LANES), _LF * 16 + _LD] = 1.0
_BPW = (_B * _F) // _NW
_NCH = _BPW // _GW
_GD = 128
_RPG = _GD // _D


_VG = _V // _RPG
_VGP = 12512


_DC = 8


_VC = 8192
_NVC = _V // _VC
_VREST = _V - _NVC * _VC


def _retile_kernel(tt_ref, out_ref):
    def interleave(xc, nv):
        x3 = jnp.transpose(xc).reshape(nv // _RPG, _RPG, _D)
        return jnp.concatenate([x3[:, s, :] for s in range(_RPG)], axis=1)

    @pl.loop(0, _NVC)
    def _(c):
        xc = tt_ref[0, :, pl.ds(_VC * c, _VC)]
        out_ref[0, pl.ds((_VC // _RPG) * c, _VC // _RPG), :] = (
            interleave(xc, _VC))

    xc = tt_ref[0, :, _NVC * _VC:_V]
    out_ref[0, (_VC // _RPG) * _NVC:_VG, :] = interleave(xc, _VREST)


def _retile(tables):
    tt = jnp.transpose(tables, (0, 2, 1))
    out = pl.pallas_call(
        _retile_kernel,
        grid=(_F,),
        in_specs=[pl.BlockSpec((1, _D, _V), lambda f: (f, 0, 0))],
        out_specs=pl.BlockSpec((1, _VGP, _GD), lambda f: (f, 0, 0)),
        out_shape=jax.ShapeDtypeStruct((_F, _VGP, _GD), jnp.float32),
    )(tt)
    return out.reshape(_F * _VGP, _GD)


def _sc_gather(table128, idx3):
    mesh = plsc.VectorSubcoreMesh(core_axis_name="c", subcore_axis_name="s")

    @functools.partial(
        pl.kernel, mesh=mesh,
        out_type=jax.ShapeDtypeStruct((_B, _F * _GD), jnp.float32),
        scratch_types=[
            pltpu.VMEM((_GW,), jnp.int32),
            pltpu.VMEM((_GW, _GD), jnp.float32),
            pltpu.SemaphoreType.DMA,
        ],
    )
    def kern(table_hbm, idx_hbm, out_hbm, idx_v, rows_v, sem):
        wid = jax.lax.axis_index("s") * 2 + jax.lax.axis_index("c")

        @pl.loop(0, _F)
        def _(f):
            pltpu.sync_copy(idx_hbm.at[f, wid], idx_v)
            pltpu.async_copy(table_hbm.at[idx_v], rows_v, sem).wait()
            pltpu.sync_copy(
                rows_v,
                out_hbm.at[pl.ds(wid * _GW, _GW), pl.ds(f * _GD, _GD)])

    return kern(table128, idx3)


def _interact_kernel(g2_ref, rem_ref, rexp_ref, klane_ref, c_ref,
                     w0_ref, d1l_ref, d1r_ref, w2_ref, s2w_ref,
                     d3l_ref, d3r_ref, sum1_ref, out_ref):
    remf = rem_ref[...].astype(jnp.float32)
    rem_l = jnp.dot(remf, rexp_ref[...])
    mask = (rem_l == klane_ref[...]).astype(jnp.float32)
    eg = g2_ref[...] * mask
    e2 = jnp.dot(eg, c_ref[...])

    s0 = jnp.dot(e2, w0_ref[...])
    a = jnp.dot(e2, d1l_ref[...])
    b = jnp.dot(e2, d1r_ref[...])
    s1 = jnp.dot(a * b, sum1_ref[...])
    c = jnp.maximum(jnp.dot(e2, w2_ref[...]), 0.0)
    s2 = jnp.dot(c, s2w_ref[...])
    p = jnp.dot(e2, d3l_ref[...])
    q = jnp.dot(e2, d3r_ref[...])
    s3 = jnp.dot(p * q, sum1_ref[...])

    out_ref[...] = jnp.concatenate([s0, s1, s2, s3], axis=1)


def _final_kernel(s_ref, beta_ref, out_ref):
    s = s_ref[...]
    mean = jnp.mean(s, axis=0, keepdims=True)
    var = jnp.mean((s - mean) ** 2, axis=0, keepdims=True)
    g = jnp.tanh(beta_ref[...]) / jnp.sqrt(var + 1e-3)
    out_ref[...] = (jnp.sum(s * g, axis=1, keepdims=True)
                    - jnp.sum(g * mean))


def kernel(X, tables, W_cat, W_gen, W_fc, beta):
    table128 = _retile(tables)
    phys_idx = (X.T // _RPG
                + (jnp.arange(_F, dtype=jnp.int32) * _VGP)[:, None]
                ).reshape(_F, _NW, _GW)
    rem = X % _RPG
    g2 = _sc_gather(table128, phys_idx)

    w = W_fc[0]
    v = w @ W_gen
    A = W_cat[:, :_D]
    Bm = W_cat[:, _D:]
    eye = jnp.eye(_D, dtype=jnp.float32)

    def expand(mask, dmat):
        n = mask.shape[1]
        return (jnp.asarray(mask)[:, None, :, None] * dmat[None, :, None, :]
                ).reshape(_F * _D, n * _D)

    W0 = (jnp.asarray(_S0)[:, None, :] * w[None, :, None]).reshape(_F * _D, _N0)
    D1L = expand(_SI1, eye * w[:, None])
    D1R = expand(_SJ1, eye)
    W2 = expand(_SI2, A.T) + expand(_SJ2, Bm.T)
    D3L = expand(_SI3, eye * v[:, None])
    D3R = expand(_SJ3, eye)
    SUM1 = jnp.asarray(_S2SEL)
    w_tile = jnp.broadcast_to(w[None, :], (_N2, _D)).reshape(_N2 * _D)
    S2w = SUM1 * w_tile[:, None]

    full = lambda shp: pl.BlockSpec(shp, lambda i: tuple(0 for _ in shp))
    s = pl.pallas_call(
        _interact_kernel,
        grid=(_B // _BS,),
        in_specs=[
            pl.BlockSpec((_BS, _LANES), lambda i: (i, 0)),
            pl.BlockSpec((_BS, _F), lambda i: (i, 0)),
            full((_F, _LANES)),
            full((1, _LANES)),
            full((_LANES, _F * _D)),
            full((_F * _D, _N0)),
            full((_F * _D, _N1 * _D)),
            full((_F * _D, _N1 * _D)),
            full((_F * _D, _N2 * _D)),
            full((_N2 * _D, _N2)),
            full((_F * _D, _N3 * _D)),
            full((_F * _D, _N3 * _D)),
            full((_N1 * _D, _N1)),
        ],
        out_specs=pl.BlockSpec((_BS, _P), lambda i: (i, 0)),
        out_shape=jax.ShapeDtypeStruct((_B, _P), jnp.float32),
    )(g2, rem, jnp.asarray(_REXP), jnp.asarray(_KLANE), jnp.asarray(_CMP),
      W0, D1L, D1R, W2, S2w, D3L, D3R, SUM1)

    beta_p = beta[jnp.asarray(_PERM)][None, :]
    out = pl.pallas_call(
        _final_kernel,
        in_specs=[
            pl.BlockSpec((_B, _P), lambda: (0, 0)),
            pl.BlockSpec((1, _P), lambda: (0, 0)),
        ],
        out_specs=pl.BlockSpec((_B, 1), lambda: (0, 0)),
        out_shape=jax.ShapeDtypeStruct((_B, 1), jnp.float32),
    )(s, beta_p)
    return out

# --- scband reference (transcript-rebuilt; emitter-appended) ---
"""Pipeline reference for scband-interaction-layer-65438121722101 (READ-ONLY COPY).

The authoritative reference and input builder live on the scoring server;
editing this copy changes nothing except your own understanding.
"""

import jax, jax.numpy as jnp
import numpy as np

B = 4096
F = 26
V = 100000
D = 16
I_IDX, J_IDX = np.triu_indices(F, k=1)
P = I_IDX.shape[0]  # 325
SELECTED = np.arange(P) % 4
MASK = np.zeros((P, 4), dtype=np.float32)
MASK[np.arange(P), SELECTED] = 1.0


def setup_inputs(seed: int = 0):
    key = jax.random.key(seed)
    ks = jax.random.split(key, 6)
    X = jax.random.randint(ks[0], (B, F), 0, V, dtype=jnp.int32)
    tables = jax.random.normal(ks[1], (F, V, D), dtype=jnp.float32) * 0.001
    W_cat = jax.random.normal(ks[2], (D, 2 * D), dtype=jnp.float32) * 0.05
    W_gen = jax.random.normal(ks[3], (D, D), dtype=jnp.float32) * 0.05
    W_fc = jax.random.normal(ks[4], (1, D), dtype=jnp.float32) * 0.05
    beta = jax.random.uniform(ks[5], (P,), minval=0.499, maxval=0.501, dtype=jnp.float32)
    return {"X": X, "tables": tables, "W_cat": W_cat, "W_gen": W_gen, "W_fc": W_fc, "beta": beta}


def _forward(X, tables, W_cat, W_gen, W_fc, beta):
    # per-field embedding lookup (SparseCore gather)
    emb = jnp.stack([jnp.take(tables[f], X[:, f], axis=0) for f in range(F)], axis=1)  # [B, F, D]
    xi = emb[:, I_IDX, :]  # [B, P, D]
    xj = emb[:, J_IDX, :]
    mask = jnp.asarray(MASK)  # [P, 4]
    # ops in order: pointwise_addition, hadamard_product, concatenation_layer, generalized_product
    r0 = (xi + xj) @ W_fc.T                                              # [B, P, 1]
    r1 = (xi * xj) @ W_fc.T
    r2 = jax.nn.relu(jnp.concatenate([xi, xj], axis=-1) @ W_cat.T) @ W_fc.T
    r3 = ((xi * xj) @ W_gen.T) @ W_fc.T
    s = (r0 * mask[:, 0][None, :, None] + r1 * mask[:, 1][None, :, None]
         + r2 * mask[:, 2][None, :, None] + r3 * mask[:, 3][None, :, None])
    # BatchNorm1d(P, affine=False), training-mode batch statistics over (N, L)
    mean = jnp.mean(s, axis=(0, 2), keepdims=True)
    var = jnp.var(s, axis=(0, 2), keepdims=True)
    normed = (s - mean) / jnp.sqrt(var + 1e-3)
    w = normed * jnp.tanh(beta)[None, :, None]
    return jnp.sum(jnp.reshape(w, (w.shape[0], -1)), axis=-1, keepdims=True)  # [B, 1]


def reference(X, tables, W_cat, W_gen, W_fc, beta):
    return _forward(X, tables, W_cat, W_gen, W_fc, beta)

if __name__ == "__main__":
    import jax
    _d = setup_inputs()
    print(jax.jit(kernel)(*tuple(_d.values())))

</pallas_src>

<mosaic_0001>
#map = affine_map<(d0, d1) -> (0, 0)>
#map1 = affine_map<(d0, d1) -> (0, 0, 0)>
module attributes {stable_mosaic.version = 14 : i64} {
  func.func @kern(%arg0: i32, %arg1: i32, %arg2: memref<325312x128xf32, #tpu.memory_space<hbm>>, %arg3: memref<26x32x128xi32, #tpu.memory_space<hbm>>, %arg4: memref<4096x3328xf32, #tpu.memory_space<hbm>>, %arg5: memref<128xi32, #tpu.memory_space<vmem>>, %arg6: memref<128x128xf32, #tpu.memory_space<vmem>>, %arg7: memref<!tpu.dma_semaphore, #tpu.memory_space<semaphore_mem>>) attributes {dimension_semantics = [#tpu.dimension_semantics<core_parallel>, #tpu.dimension_semantics<subcore_parallel>], iteration_bounds = array<i64: 2, 16>, scalar_prefetch = 0 : i64, scratch_operands = 3 : i64, tpu.core_type = #tpu.core_type<sc_vector_subcore>, window_params = [{transform_indices = #map}, {transform_indices = #map1}, {transform_indices = #map}]} {
    %mul3A = arith.constant 2 : i32
    %mul3A_0 = arith.muli %arg1, %mul3A : i32
    %add3A = arith.addi %mul3A_0, %arg0 : i32
    %scan3A = arith.constant 0 : i32
    %scan3A_1 = arith.constant 26 : i32
    %scan3A_2 = arith.addi %scan3A, %scan3A_1 : i32
    %scan3A_3 = arith.constant 1 : i32
    scf.for %scan3A_5 = %scan3A to %scan3A_2 step %scan3A_3  : i32 {
      %mul3A_6 = arith.constant 1 : i32
      %mul3A_7 = arith.muli %scan3A_5, %mul3A_6 : i32
      %add3A_8 = arith.constant 0 : i32
      %add3A_9 = arith.addi %add3A_8, %mul3A_7 : i32
      "tpu.region"() ({
        %run_scoped3A = tpu.sem_alloc : memref<!tpu.dma_semaphore, #tpu.memory_space<semaphore_mem>>
        %dma_start3A_18 = arith.constant 0 : i32
        %dma_start3A_19 = tpu.memref_slice %arg3[%add3A_9, %add3A, %dma_start3A_18] : memref<26x32x128xi32, #tpu.memory_space<hbm>> -> memref<1x1x128xi32, #tpu.memory_space<hbm>>
        %dma_start3A_20 = tpu.memref_squeeze %dma_start3A_19 : memref<1x1x128xi32, #tpu.memory_space<hbm>> -> memref<128xi32, #tpu.memory_space<hbm>>
        %dma_start3A_21 = arith.constant 0 : i32
        %dma_start3A_22 = tpu.memref_slice %arg3[%add3A_9, %add3A, %dma_start3A_21] : memref<26x32x128xi32, #tpu.memory_space<hbm>> -> memref<1x1x128xi32, #tpu.memory_space<hbm>>
        %dma_start3A_23 = tpu.memref_squeeze %dma_start3A_22 : memref<1x1x128xi32, #tpu.memory_space<hbm>> -> memref<128xi32, #tpu.memory_space<hbm>>
        tpu.enqueue_dma source(%dma_start3A_23 : memref<128xi32, #tpu.memory_space<hbm>>) target(%arg5 : memref<128xi32, #tpu.memory_space<vmem>>) target_semaphore(%run_scoped3A : memref<!tpu.dma_semaphore, #tpu.memory_space<semaphore_mem>>)
        %dma_wait3A_24 = arith.constant 0 : i32
        %dma_wait3A_25 = tpu.memref_slice %arg3[%add3A_9, %add3A, %dma_wait3A_24] : memref<26x32x128xi32, #tpu.memory_space<hbm>> -> memref<1x1x128xi32, #tpu.memory_space<hbm>>
        %dma_wait3A_26 = tpu.memref_squeeze %dma_wait3A_25 : memref<1x1x128xi32, #tpu.memory_space<hbm>> -> memref<128xi32, #tpu.memory_space<hbm>>
        %dma_wait3A_27 = arith.constant 0 : i32
        %dma_wait3A_28 = tpu.memref_slice %arg3[%add3A_9, %add3A, %dma_wait3A_27] : memref<26x32x128xi32, #tpu.memory_space<hbm>> -> memref<1x1x128xi32, #tpu.memory_space<hbm>>
        %dma_wait3A_29 = tpu.memref_squeeze %dma_wait3A_28 : memref<1x1x128xi32, #tpu.memory_space<hbm>> -> memref<128xi32, #tpu.memory_space<hbm>>
        tpu.wait_dma2 semaphore(%run_scoped3A : memref<!tpu.dma_semaphore, #tpu.memory_space<semaphore_mem>>) src(%dma_wait3A_29 : memref<128xi32, #tpu.memory_space<hbm>>) dst(%arg5 : memref<128xi32, #tpu.memory_space<vmem>>)
        tpu.yield
      }) : () -> ()
      %dma_start3A = arith.constant 0 : i32
      %dma_start3A_10 = arith.constant 0 : i32
      %dma_start3A_11 = tpu.memref_slice %arg2[%dma_start3A, %dma_start3A_10] : memref<325312x128xf32, #tpu.memory_space<hbm>> -> memref<325312x128xf32, #tpu.memory_space<hbm>>
      tpu.enqueue_indirect_dma source(%dma_start3A_11 : memref<325312x128xf32, #tpu.memory_space<hbm>>) target(%arg6 : memref<128x128xf32, #tpu.memory_space<vmem>>) offsets(%arg5 : memref<128xi32, #tpu.memory_space<vmem>>) semaphore(%arg7 : memref<!tpu.dma_semaphore, #tpu.memory_space<semaphore_mem>>)
      %dma_wait3A = arith.constant 0 : i32
      %dma_wait3A_12 = arith.constant 0 : i32
      %dma_wait3A_13 = tpu.memref_slice %arg2[%dma_wait3A, %dma_wait3A_12] : memref<325312x128xf32, #tpu.memory_space<hbm>> -> memref<325312x128xf32, #tpu.memory_space<hbm>>
      tpu.wait_indirect_dma semaphore(%arg7 : memref<!tpu.dma_semaphore, #tpu.memory_space<semaphore_mem>>) src(%dma_wait3A_13 : memref<325312x128xf32, #tpu.memory_space<hbm>>) dst(%arg6 : memref<128x128xf32, #tpu.memory_space<vmem>>)
      %mul3A_14 = arith.constant 128 : i32
      %mul3A_15 = arith.muli %add3A, %mul3A_14 : i32
      %mul3A_16 = arith.constant 128 : i32
      %mul3A_17 = arith.muli %add3A_9, %mul3A_16 : i32
      "tpu.region"() ({
        %run_scoped3A = tpu.sem_alloc : memref<!tpu.dma_semaphore, #tpu.memory_space<semaphore_mem>>
        %dma_start3A_18 = tpu.memref_slice %arg4[%mul3A_15, %mul3A_17] : memref<4096x3328xf32, #tpu.memory_space<hbm>> -> memref<128x128xf32, #tpu.memory_space<hbm>>
        %dma_start3A_19 = tpu.memref_slice %arg4[%mul3A_15, %mul3A_17] : memref<4096x3328xf32, #tpu.memory_space<hbm>> -> memref<128x128xf32, #tpu.memory_space<hbm>>
        tpu.enqueue_dma source(%arg6 : memref<128x128xf32, #tpu.memory_space<vmem>>) target(%dma_start3A_19 : memref<128x128xf32, #tpu.memory_space<hbm>>) target_semaphore(%run_scoped3A : memref<!tpu.dma_semaphore, #tpu.memory_space<semaphore_mem>>)
        %dma_wait3A_20 = tpu.memref_slice %arg4[%mul3A_15, %mul3A_17] : memref<4096x3328xf32, #tpu.memory_space<hbm>> -> memref<128x128xf32, #tpu.memory_space<hbm>>
        %dma_wait3A_21 = tpu.memref_slice %arg4[%mul3A_15, %mul3A_17] : memref<4096x3328xf32, #tpu.memory_space<hbm>> -> memref<128x128xf32, #tpu.memory_space<hbm>>
        tpu.wait_dma2 semaphore(%run_scoped3A : memref<!tpu.dma_semaphore, #tpu.memory_space<semaphore_mem>>) src(%arg6 : memref<128x128xf32, #tpu.memory_space<vmem>>) dst(%dma_wait3A_21 : memref<128x128xf32, #tpu.memory_space<hbm>>)
        tpu.yield
      }) : () -> ()
    }
    %scan3A_4 = arith.constant 26 : i32
    return
  }
}

module attributes {stable_mosaic.version = 14 : i64} {
  func.func @_retile_kernel(%arg0: i32, %arg1: memref<1x16x100000xf32, #tpu.memory_space<vmem>>, %arg2: memref<1x12512x128xf32, #tpu.memory_space<vmem>>) attributes {dimension_semantics = [#tpu.dimension_semantics<arbitrary>], iteration_bounds = array<i64: 26>, scalar_prefetch = 0 : i64, scratch_operands = 0 : i64, tpu.core_type = #tpu.core_type<tc>, window_params = [{transform_indices = @transform_0, window_bounds = array<i64: 1, 16, 100000>}, {transform_indices = @transform_1, window_bounds = array<i64: 1, 12512, 128>}]} {
    %scan3A = arith.constant 0 : i32
    %scan3A_0 = arith.constant 12 : i32
    %scan3A_1 = arith.addi %scan3A, %scan3A_0 : i32
    %scan3A_2 = arith.constant 1 : i32
    scf.for %scan3A_27 = %scan3A to %scan3A_1 step %scan3A_2  : i32 {
      %mul3A = arith.constant 1 : i32
      %mul3A_28 = arith.muli %scan3A_27, %mul3A : i32
      %add3A = arith.constant 0 : i32
      %add3A_29 = arith.addi %add3A, %mul3A_28 : i32
      %mul3A_30 = arith.constant 8192 : i32
      %mul3A_31 = arith.muli %mul3A_30, %add3A_29 : i32
      %get3A_32 = arith.constant 0 : index
      %get3A_33 = arith.constant 0 : index
      %get3A_34 = arith.index_cast %mul3A_31 : i32 to index
      %get3A_35 = vector.load %arg1[%get3A_32, %get3A_33, %get3A_34] : memref<1x16x100000xf32, #tpu.memory_space<vmem>>, vector<1x16x8192xf32>
      %get3A_36 = vector.shape_cast %get3A_35 : vector<1x16x8192xf32> to vector<16x8192xf32>
      %transpose3A_37 = tpu.transpose %get3A_36, [1, 0] : vector<16x8192xf32> -> vector<8192x16xf32>
      %reshape3A_38 = vector.shape_cast %transpose3A_37 : vector<8192x16xf32> to vector<1024x8x16xf32>
      %slice3A_39 = vector.extract_strided_slice %reshape3A_38 {offsets = [0, 0, 0], sizes = [1024, 1, 16], strides = [1, 1, 1]} : vector<1024x8x16xf32> to vector<1024x1x16xf32>
      %squeeze3A_40 = vector.shape_cast %slice3A_39 : vector<1024x1x16xf32> to vector<1024x16xf32>
      %slice3A_41 = vector.extract_strided_slice %reshape3A_38 {offsets = [0, 1, 0], sizes = [1024, 1, 16], strides = [1, 1, 1]} : vector<1024x8x16xf32> to vector<1024x1x16xf32>
      %squeeze3A_42 = vector.shape_cast %slice3A_41 : vector<1024x1x16xf32> to vector<1024x16xf32>
      %slice3A_43 = vector.extract_strided_slice %reshape3A_38 {offsets = [0, 2, 0], sizes = [1024, 1, 16], strides = [1, 1, 1]} : vector<1024x8x16xf32> to vector<1024x1x16xf32>
      %squeeze3A_44 = vector.shape_cast %slice3A_43 : vector<1024x1x16xf32> to vector<1024x16xf32>
      %slice3A_45 = vector.extract_strided_slice %reshape3A_38 {offsets = [0, 3, 0], sizes = [1024, 1, 16], strides = [1, 1, 1]} : vector<1024x8x16xf32> to vector<1024x1x16xf32>
      %squeeze3A_46 = vector.shape_cast %slice3A_45 : vector<1024x1x16xf32> to vector<1024x16xf32>
      %slice3A_47 = vector.extract_strided_slice %reshape3A_38 {offsets = [0, 4, 0], sizes = [1024, 1, 16], strides = [1, 1, 1]} : vector<1024x8x16xf32> to vector<1024x1x16xf32>
      %squeeze3A_48 = vector.shape_cast %slice3A_47 : vector<1024x1x16xf32> to vector<1024x16xf32>
      %slice3A_49 = vector.extract_strided_slice %reshape3A_38 {offsets = [0, 5, 0], sizes = [1024, 1, 16], strides = [1, 1, 1]} : vector<1024x8x16xf32> to vector<1024x1x16xf32>
      %squeeze3A_50 = vector.shape_cast %slice3A_49 : vector<1024x1x16xf32> to vector<1024x16xf32>
      %slice3A_51 = vector.extract_strided_slice %reshape3A_38 {offsets = [0, 6, 0], sizes = [1024, 1, 16], strides = [1, 1, 1]} : vector<1024x8x16xf32> to vector<1024x1x16xf32>
      %squeeze3A_52 = vector.shape_cast %slice3A_51 : vector<1024x1x16xf32> to vector<1024x16xf32>
      %slice3A_53 = vector.extract_strided_slice %reshape3A_38 {offsets = [0, 7, 0], sizes = [1024, 1, 16], strides = [1, 1, 1]} : vector<1024x8x16xf32> to vector<1024x1x16xf32>
      %squeeze3A_54 = vector.shape_cast %slice3A_53 : vector<1024x1x16xf32> to vector<1024x16xf32>
      %concatenate3A_55 = tpu.concatenate %squeeze3A_40, %squeeze3A_42, %squeeze3A_44, %squeeze3A_46, %squeeze3A_48, %squeeze3A_50, %squeeze3A_52, %squeeze3A_54 in 1 : vector<1024x16xf32>, vector<1024x16xf32>, vector<1024x16xf32>, vector<1024x16xf32>, vector<1024x16xf32>, vector<1024x16xf32>, vector<1024x16xf32>, vector<1024x16xf32> -> vector<1024x128xf32>
      %mul3A_56 = arith.constant 1024 : i32
      %mul3A_57 = arith.muli %mul3A_56, %add3A_29 : i32
      %swap3A_58 = arith.constant 0 : index
      %swap3A_59 = arith.index_cast %mul3A_57 : i32 to index
      %swap3A_60 = arith.constant 0 : index
      %swap3A_61 = vector.load %arg2[%swap3A_58, %swap3A_59, %swap3A_60] : memref<1x12512x128xf32, #tpu.memory_space<vmem>>, vector<1x1024x128xf32>
      %swap3A_62 = vector.shape_cast %swap3A_61 : vector<1x1024x128xf32> to vector<1024x128xf32>
      %swap3A_63 = vector.shape_cast %concatenate3A_55 : vector<1024x128xf32> to vector<1x1024x128xf32>
      tpu.vector_store %arg2[%swap3A_58, %swap3A_59, %swap3A_60], %swap3A_63 {strides = array<i32>} : memref<1x12512x128xf32, #tpu.memory_space<vmem>>, vector<1x1024x128xf32>,
    }
    %scan3A_3 = arith.constant 12 : i32
    %get3A = arith.constant 0 : index
    %get3A_4 = arith.constant 0 : index
    %get3A_5 = arith.constant 98304 : index
    %get3A_6 = vector.load %arg1[%get3A, %get3A_4, %get3A_5] : memref<1x16x100000xf32, #tpu.memory_space<vmem>>, vector<1x16x1696xf32>
    %get3A_7 = vector.shape_cast %get3A_6 : vector<1x16x1696xf32> to vector<16x1696xf32>
    %transpose3A = tpu.transpose %get3A_7, [1, 0] : vector<16x1696xf32> -> vector<1696x16xf32>
    %reshape3A = vector.shape_cast %transpose3A : vector<1696x16xf32> to vector<212x8x16xf32>
    %slice3A = vector.extract_strided_slice %reshape3A {offsets = [0, 0, 0], sizes = [212, 1, 16], strides = [1, 1, 1]} : vector<212x8x16xf32> to vector<212x1x16xf32>
    %squeeze3A = vector.shape_cast %slice3A : vector<212x1x16xf32> to vector<212x16xf32>
    %slice3A_8 = vector.extract_strided_slice %reshape3A {offsets = [0, 1, 0], sizes = [212, 1, 16], strides = [1, 1, 1]} : vector<212x8x16xf32> to vector<212x1x16xf32>
    %squeeze3A_9 = vector.shape_cast %slice3A_8 : vector<212x1x16xf32> to vector<212x16xf32>
    %slice3A_10 = vector.extract_strided_slice %reshape3A {offsets = [0, 2, 0], sizes = [212, 1, 16], strides = [1, 1, 1]} : vector<212x8x16xf32> to vector<212x1x16xf32>
    %squeeze3A_11 = vector.shape_cast %slice3A_10 : vector<212x1x16xf32> to vector<212x16xf32>
    %slice3A_12 = vector.extract_strided_slice %reshape3A {offsets = [0, 3, 0], sizes = [212, 1, 16], strides = [1, 1, 1]} : vector<212x8x16xf32> to vector<212x1x16xf32>
    %squeeze3A_13 = vector.shape_cast %slice3A_12 : vector<212x1x16xf32> to vector<212x16xf32>
    %slice3A_14 = vector.extract_strided_slice %reshape3A {offsets = [0, 4, 0], sizes = [212, 1, 16], strides = [1, 1, 1]} : vector<212x8x16xf32> to vector<212x1x16xf32>
    %squeeze3A_15 = vector.shape_cast %slice3A_14 : vector<212x1x16xf32> to vector<212x16xf32>
    %slice3A_16 = vector.extract_strided_slice %reshape3A {offsets = [0, 5, 0], sizes = [212, 1, 16], strides = [1, 1, 1]} : vector<212x8x16xf32> to vector<212x1x16xf32>
    %squeeze3A_17 = vector.shape_cast %slice3A_16 : vector<212x1x16xf32> to vector<212x16xf32>
    %slice3A_18 = vector.extract_strided_slice %reshape3A {offsets = [0, 6, 0], sizes = [212, 1, 16], strides = [1, 1, 1]} : vector<212x8x16xf32> to vector<212x1x16xf32>
    %squeeze3A_19 = vector.shape_cast %slice3A_18 : vector<212x1x16xf32> to vector<212x16xf32>
    %slice3A_20 = vector.extract_strided_slice %reshape3A {offsets = [0, 7, 0], sizes = [212, 1, 16], strides = [1, 1, 1]} : vector<212x8x16xf32> to vector<212x1x16xf32>
    %squeeze3A_21 = vector.shape_cast %slice3A_20 : vector<212x1x16xf32> to vector<212x16xf32>
    %concatenate3A = tpu.concatenate %squeeze3A, %squeeze3A_9, %squeeze3A_11, %squeeze3A_13, %squeeze3A_15, %squeeze3A_17, %squeeze3A_19, %squeeze3A_21 in 1 : vector<212x16xf32>, vector<212x16xf32>, vector<212x16xf32>, vector<212x16xf32>, vector<212x16xf32>, vector<212x16xf32>, vector<212x16xf32>, vector<212x16xf32> -> vector<212x128xf32>
    %swap3A = arith.constant 0 : index
    %swap3A_22 = arith.constant 12288 : index
    %swap3A_23 = arith.constant 0 : index
    %swap3A_24 = vector.load %arg2[%swap3A, %swap3A_22, %swap3A_23] : memref<1x12512x128xf32, #tpu.memory_space<vmem>>, vector<1x212x128xf32>
    %swap3A_25 = vector.shape_cast %swap3A_24 : vector<1x212x128xf32> to vector<212x128xf32>
    %swap3A_26 = vector.shape_cast %concatenate3A : vector<212x128xf32> to vector<1x212x128xf32>
    tpu.vector_store %arg2[%swap3A, %swap3A_22, %swap3A_23], %swap3A_26 {strides = array<i32>} : memref<1x12512x128xf32, #tpu.memory_space<vmem>>, vector<1x212x128xf32>,
    return
  }
  func.func @transform_0(%arg0: i32) -> (i32, i32, i32) {
    %c0_i32 = arith.constant 0 : i32
    %c0_i32_0 = arith.constant 0 : i32
    %c0_i32_1 = arith.constant 0 : i32
    return %arg0, %c0_i32, %c0_i32_0 : i32, i32, i32
  }
  func.func @transform_1(%arg0: i32) -> (i32, i32, i32) {
    %c0_i32 = arith.constant 0 : i32
    %c0_i32_0 = arith.constant 0 : i32
    %c0_i32_1 = arith.constant 0 : i32
    return %arg0, %c0_i32, %c0_i32_0 : i32, i32, i32
  }
}

module attributes {stable_mosaic.version = 14 : i64} {
  func.func @_interact_kernel(%arg0: i32, %arg1: memref<256x3328xf32, #tpu.memory_space<vmem>>, %arg2: memref<256x26xi32, #tpu.memory_space<vmem>>, %arg3: memref<26x3328xf32, #tpu.memory_space<vmem>>, %arg4: memref<1x3328xf32, #tpu.memory_space<vmem>>, %arg5: memref<3328x416xf32, #tpu.memory_space<vmem>>, %arg6: memref<416x82xf32, #tpu.memory_space<vmem>>, %arg7: memref<416x1296xf32, #tpu.memory_space<vmem>>, %arg8: memref<416x1296xf32, #tpu.memory_space<vmem>>, %arg9: memref<416x1296xf32, #tpu.memory_space<vmem>>, %arg10: memref<1296x81xf32, #tpu.memory_space<vmem>>, %arg11: memref<416x1296xf32, #tpu.memory_space<vmem>>, %arg12: memref<416x1296xf32, #tpu.memory_space<vmem>>, %arg13: memref<1296x81xf32, #tpu.memory_space<vmem>>, %arg14: memref<256x325xf32, #tpu.memory_space<vmem>>) attributes {dimension_semantics = [#tpu.dimension_semantics<arbitrary>], iteration_bounds = array<i64: 16>, scalar_prefetch = 0 : i64, scratch_operands = 0 : i64, tpu.core_type = #tpu.core_type<tc>, window_params = [{transform_indices = @transform_0, window_bounds = array<i64: 256, 3328>}, {transform_indices = @transform_1, window_bounds = array<i64: 256, 26>}, {pipeline_mode = #tpu.pipeline_mode<synchronous>, transform_indices = @transform_2, window_bounds = array<i64: 26, 3328>}, {pipeline_mode = #tpu.pipeline_mode<synchronous>, transform_indices = @transform_3, window_bounds = array<i64: 1, 3328>}, {pipeline_mode = #tpu.pipeline_mode<synchronous>, transform_indices = @transform_4, window_bounds = array<i64: 3328, 416>}, {pipeline_mode = #tpu.pipeline_mode<synchronous>, transform_indices = @transform_5, window_bounds = array<i64: 416, 82>}, {pipeline_mode = #tpu.pipeline_mode<synchronous>, transform_indices = @transform_6, window_bounds = array<i64: 416, 1296>}, {pipeline_mode = #tpu.pipeline_mode<synchronous>, transform_indices = @transform_7, window_bounds = array<i64: 416, 1296>}, {pipeline_mode = #tpu.pipeline_mode<synchronous>, transform_indices = @transform_8, window_bounds = array<i64: 416, 1296>}, {pipeline_mode = #tpu.pipeline_mode<synchronous>, transform_indices = @transform_9, window_bounds = array<i64: 1296, 81>}, {pipeline_mode = #tpu.pipeline_mode<synchronous>, transform_indices = @transform_10, window_bounds = array<i64: 416, 1296>}, {pipeline_mode = #tpu.pipeline_mode<synchronous>, transform_indices = @transform_11, window_bounds = array<i64: 416, 1296>}, {pipeline_mode = #tpu.pipeline_mode<synchronous>, transform_indices = @transform_12, window_bounds = array<i64: 1296, 81>}, {transform_indices = @transform_13, window_bounds = array<i64: 256, 325>}]} {
    %get3A = arith.constant 0 : index
    %get3A_0 = arith.constant 0 : index
    %get3A_1 = vector.load %arg2[%get3A, %get3A_0] : memref<256x26xi32, #tpu.memory_space<vmem>>, vector<256x26xi32>
    %convert_element_type3A = arith.sitofp %get3A_1 : vector<256x26xi32> to vector<256x26xf32>
    %get3A_2 = arith.constant 0 : index
    %get3A_3 = arith.constant 0 : index
    %get3A_4 = vector.load %arg3[%get3A_2, %get3A_3] : memref<26x3328xf32, #tpu.memory_space<vmem>>, vector<26x3328xf32>
    %dot_general3A = arith.constant dense<0.000000e+00> : vector<256x3328xf32>
    %dot_general3A_5 = tpu.matmul %convert_element_type3A, %get3A_4, %dot_general3A {dimension_numbers = #tpu.dot_dimension_numbers<[1], [0], [0], [1], [0, 0, 1, 1], [], []>, transpose_lhs_hint = false} : vector<256x26xf32>, vector<26x3328xf32>, vector<256x3328xf32> -> vector<256x3328xf32>
    %get3A_6 = arith.constant 0 : index
    %get3A_7 = arith.constant 0 : index
    %get3A_8 = vector.load %arg4[%get3A_6, %get3A_7] : memref<1x3328xf32, #tpu.memory_space<vmem>>, vector<1x3328xf32>
    %eq3A = vector.broadcast %get3A_8 : vector<1x3328xf32> to vector<256x3328xf32>
    %eq3A_9 = arith.cmpf oeq, %dot_general3A_5, %eq3A : vector<256x3328xf32>
    %convert_element_type3A_10 = arith.extui %eq3A_9 : vector<256x3328xi1> to vector<256x3328xi32>
    %convert_element_type3A_11 = arith.sitofp %convert_element_type3A_10 : vector<256x3328xi32> to vector<256x3328xf32>
    %get3A_12 = arith.constant 0 : index
    %get3A_13 = arith.constant 0 : index
    %get3A_14 = vector.load %arg1[%get3A_12, %get3A_13] : memref<256x3328xf32, #tpu.memory_space<vmem>>, vector<256x3328xf32>
    %mul3A = arith.mulf %get3A_14, %convert_element_type3A_11 : vector<256x3328xf32>
    %get3A_15 = arith.constant 0 : index
    %get3A_16 = arith.constant 0 : index
    %get3A_17 = vector.load %arg5[%get3A_15, %get3A_16] : memref<3328x416xf32, #tpu.memory_space<vmem>>, vector<3328x416xf32>
    %dot_general3A_18 = arith.constant dense<0.000000e+00> : vector<256x416xf32>
    %dot_general3A_19 = tpu.matmul %mul3A, %get3A_17, %dot_general3A_18 {dimension_numbers = #tpu.dot_dimension_numbers<[1], [0], [0], [1], [0, 0, 1, 1], [], []>, transpose_lhs_hint = false} : vector<256x3328xf32>, vector<3328x416xf32>, vector<256x416xf32> -> vector<256x416xf32>
    %get3A_20 = arith.constant 0 : index
    %get3A_21 = arith.constant 0 : index
    %get3A_22 = vector.load %arg6[%get3A_20, %get3A_21] : memref<416x82xf32, #tpu.memory_space<vmem>>, vector<416x82xf32>
    %dot_general3A_23 = arith.constant dense<0.000000e+00> : vector<256x82xf32>
    %dot_general3A_24 = tpu.matmul %dot_general3A_19, %get3A_22, %dot_general3A_23 {dimension_numbers = #tpu.dot_dimension_numbers<[1], [0], [0], [1], [0, 0, 1, 1], [], []>, transpose_lhs_hint = false} : vector<256x416xf32>, vector<416x82xf32>, vector<256x82xf32> -> vector<256x82xf32>
    %get3A_25 = arith.constant 0 : index
    %get3A_26 = arith.constant 0 : index
    %get3A_27 = vector.load %arg7[%get3A_25, %get3A_26] : memref<416x1296xf32, #tpu.memory_space<vmem>>, vector<416x1296xf32>
    %dot_general3A_28 = arith.constant dense<0.000000e+00> : vector<256x1296xf32>
    %dot_general3A_29 = tpu.matmul %dot_general3A_19, %get3A_27, %dot_general3A_28 {dimension_numbers = #tpu.dot_dimension_numbers<[1], [0], [0], [1], [0, 0, 1, 1], [], []>, transpose_lhs_hint = false} : vector<256x416xf32>, vector<416x1296xf32>, vector<256x1296xf32> -> vector<256x1296xf32>
    %get3A_30 = arith.constant 0 : index
    %get3A_31 = arith.constant 0 : index
    %get3A_32 = vector.load %arg8[%get3A_30, %get3A_31] : memref<416x1296xf32, #tpu.memory_space<vmem>>, vector<416x1296xf32>
    %dot_general3A_33 = arith.constant dense<0.000000e+00> : vector<256x1296xf32>
    %dot_general3A_34 = tpu.matmul %dot_general3A_19, %get3A_32, %dot_general3A_33 {dimension_numbers = #tpu.dot_dimension_numbers<[1], [0], [0], [1], [0, 0, 1, 1], [], []>, transpose_lhs_hint = false} : vector<256x416xf32>, vector<416x1296xf32>, vector<256x1296xf32> -> vector<256x1296xf32>
    %mul3A_35 = arith.mulf %dot_general3A_29, %dot_general3A_34 : vector<256x1296xf32>
    %get3A_36 = arith.constant 0 : index
    %get3A_37 = arith.constant 0 : index
    %get3A_38 = vector.load %arg13[%get3A_36, %get3A_37] : memref<1296x81xf32, #tpu.memory_space<vmem>>, vector<1296x81xf32>
    %dot_general3A_39 = arith.constant dense<0.000000e+00> : vector<256x81xf32>
    %dot_general3A_40 = tpu.matmul %mul3A_35, %get3A_38, %dot_general3A_39 {dimension_numbers = #tpu.dot_dimension_numbers<[1], [0], [0], [1], [0, 0, 1, 1], [], []>, transpose_lhs_hint = false} : vector<256x1296xf32>, vector<1296x81xf32>, vector<256x81xf32> -> vector<256x81xf32>
    %get3A_41 = arith.constant 0 : index
    %get3A_42 = arith.constant 0 : index
    %get3A_43 = vector.load %arg9[%get3A_41, %get3A_42] : memref<416x1296xf32, #tpu.memory_space<vmem>>, vector<416x1296xf32>
    %dot_general3A_44 = arith.constant dense<0.000000e+00> : vector<256x1296xf32>
    %dot_general3A_45 = tpu.matmul %dot_general3A_19, %get3A_43, %dot_general3A_44 {dimension_numbers = #tpu.dot_dimension_numbers<[1], [0], [0], [1], [0, 0, 1, 1], [], []>, transpose_lhs_hint = false} : vector<256x416xf32>, vector<416x1296xf32>, vector<256x1296xf32> -> vector<256x1296xf32>
    %max3A = arith.constant 0.000000e+00 : f32
    %max3A_46 = vector.broadcast %max3A : f32 to vector<256x1296xf32>
    %max3A_47 = arith.maximumf %dot_general3A_45, %max3A_46 : vector<256x1296xf32>
    %get3A_48 = arith.constant 0 : index
    %get3A_49 = arith.constant 0 : index
    %get3A_50 = vector.load %arg10[%get3A_48, %get3A_49] : memref<1296x81xf32, #tpu.memory_space<vmem>>, vector<1296x81xf32>
    %dot_general3A_51 = arith.constant dense<0.000000e+00> : vector<256x81xf32>
    %dot_general3A_52 = tpu.matmul %max3A_47, %get3A_50, %dot_general3A_51 {dimension_numbers = #tpu.dot_dimension_numbers<[1], [0], [0], [1], [0, 0, 1, 1], [], []>, transpose_lhs_hint = false} : vector<256x1296xf32>, vector<1296x81xf32>, vector<256x81xf32> -> vector<256x81xf32>
    %get3A_53 = arith.constant 0 : index
    %get3A_54 = arith.constant 0 : index
    %get3A_55 = vector.load %arg11[%get3A_53, %get3A_54] : memref<416x1296xf32, #tpu.memory_space<vmem>>, vector<416x1296xf32>
    %dot_general3A_56 = arith.constant dense<0.000000e+00> : vector<256x1296xf32>
    %dot_general3A_57 = tpu.matmul %dot_general3A_19, %get3A_55, %dot_general3A_56 {dimension_numbers = #tpu.dot_dimension_numbers<[1], [0], [0], [1], [0, 0, 1, 1], [], []>, transpose_lhs_hint = false} : vector<256x416xf32>, vector<416x1296xf32>, vector<256x1296xf32> -> vector<256x1296xf32>
    %get3A_58 = arith.constant 0 : index
    %get3A_59 = arith.constant 0 : index
    %get3A_60 = vector.load %arg12[%get3A_58, %get3A_59] : memref<416x1296xf32, #tpu.memory_space<vmem>>, vector<416x1296xf32>
    %dot_general3A_61 = arith.constant dense<0.000000e+00> : vector<256x1296xf32>
    %dot_general3A_62 = tpu.matmul %dot_general3A_19, %get3A_60, %dot_general3A_61 {dimension_numbers = #tpu.dot_dimension_numbers<[1], [0], [0], [1], [0, 0, 1, 1], [], []>, transpose_lhs_hint = false} : vector<256x416xf32>, vector<416x1296xf32>, vector<256x1296xf32> -> vector<256x1296xf32>
    %mul3A_63 = arith.mulf %dot_general3A_57, %dot_general3A_62 : vector<256x1296xf32>
    %get3A_64 = arith.constant 0 : index
    %get3A_65 = arith.constant 0 : index
    %get3A_66 = vector.load %arg13[%get3A_64, %get3A_65] : memref<1296x81xf32, #tpu.memory_space<vmem>>, vector<1296x81xf32>
    %dot_general3A_67 = arith.constant dense<0.000000e+00> : vector<256x81xf32>
    %dot_general3A_68 = tpu.matmul %mul3A_63, %get3A_66, %dot_general3A_67 {dimension_numbers = #tpu.dot_dimension_numbers<[1], [0], [0], [1], [0, 0, 1, 1], [], []>, transpose_lhs_hint = false} : vector<256x1296xf32>, vector<1296x81xf32>, vector<256x81xf32> -> vector<256x81xf32>
    %concatenate3A = tpu.concatenate %dot_general3A_24, %dot_general3A_40, %dot_general3A_52, %dot_general3A_68 in 1 : vector<256x82xf32>, vector<256x81xf32>, vector<256x81xf32>, vector<256x81xf32> -> vector<256x325xf32>
    %swap3A = arith.constant 0 : index
    %swap3A_69 = arith.constant 0 : index
    %swap3A_70 = vector.load %arg14[%swap3A, %swap3A_69] : memref<256x325xf32, #tpu.memory_space<vmem>>, vector<256x325xf32>
    tpu.vector_store %arg14[%swap3A, %swap3A_69], %concatenate3A {strides = array<i32>} : memref<256x325xf32, #tpu.memory_space<vmem>>, vector<256x325xf32>,
    return
  }
  func.func @transform_0(%arg0: i32) -> (i32, i32) {
    %c0_i32 = arith.constant 0 : i32
    %c0_i32_0 = arith.constant 0 : i32
    return %arg0, %c0_i32 : i32, i32
  }
  func.func @transform_1(%arg0: i32) -> (i32, i32) {
    %c0_i32 = arith.constant 0 : i32
    %c0_i32_0 = arith.constant 0 : i32
    return %arg0, %c0_i32 : i32, i32
  }
  func.func @transform_2(%arg0: i32) -> (i32, i32) {
    %c0_i32 = arith.constant 0 : i32
    %c0_i32_0 = arith.constant 0 : i32
    %c0_i32_1 = arith.constant 0 : i32
    return %c0_i32, %c0_i32_0 : i32, i32
  }
  func.func @transform_3(%arg0: i32) -> (i32, i32) {
    %c0_i32 = arith.constant 0 : i32
    %c0_i32_0 = arith.constant 0 : i32
    %c0_i32_1 = arith.constant 0 : i32
    return %c0_i32, %c0_i32_0 : i32, i32
  }
  func.func @transform_4(%arg0: i32) -> (i32, i32) {
    %c0_i32 = arith.constant 0 : i32
    %c0_i32_0 = arith.constant 0 : i32
    %c0_i32_1 = arith.constant 0 : i32
    return %c0_i32, %c0_i32_0 : i32, i32
  }
  func.func @transform_5(%arg0: i32) -> (i32, i32) {
    %c0_i32 = arith.constant 0 : i32
    %c0_i32_0 = arith.constant 0 : i32
    %c0_i32_1 = arith.constant 0 : i32
    return %c0_i32, %c0_i32_0 : i32, i32
  }
  func.func @transform_6(%arg0: i32) -> (i32, i32) {
    %c0_i32 = arith.constant 0 : i32
    %c0_i32_0 = arith.constant 0 : i32
    %c0_i32_1 = arith.constant 0 : i32
    return %c0_i32, %c0_i32_0 : i32, i32
  }
  func.func @transform_7(%arg0: i32) -> (i32, i32) {
    %c0_i32 = arith.constant 0 : i32
    %c0_i32_0 = arith.constant 0 : i32
    %c0_i32_1 = arith.constant 0 : i32
    return %c0_i32, %c0_i32_0 : i32, i32
  }
  func.func @transform_8(%arg0: i32) -> (i32, i32) {
    %c0_i32 = arith.constant 0 : i32
    %c0_i32_0 = arith.constant 0 : i32
    %c0_i32_1 = arith.constant 0 : i32
    return %c0_i32, %c0_i32_0 : i32, i32
  }
  func.func @transform_9(%arg0: i32) -> (i32, i32) {
    %c0_i32 = arith.constant 0 : i32
    %c0_i32_0 = arith.constant 0 : i32
    %c0_i32_1 = arith.constant 0 : i32
    return %c0_i32, %c0_i32_0 : i32, i32
  }
  func.func @transform_10(%arg0: i32) -> (i32, i32) {
    %c0_i32 = arith.constant 0 : i32
    %c0_i32_0 = arith.constant 0 : i32
    %c0_i32_1 = arith.constant 0 : i32
    return %c0_i32, %c0_i32_0 : i32, i32
  }
  func.func @transform_11(%arg0: i32) -> (i32, i32) {
    %c0_i32 = arith.constant 0 : i32
    %c0_i32_0 = arith.constant 0 : i32
    %c0_i32_1 = arith.constant 0 : i32
    return %c0_i32, %c0_i32_0 : i32, i32
  }
  func.func @transform_12(%arg0: i32) -> (i32, i32) {
    %c0_i32 = arith.constant 0 : i32
    %c0_i32_0 = arith.constant 0 : i32
    %c0_i32_1 = arith.constant 0 : i32
    return %c0_i32, %c0_i32_0 : i32, i32
  }
  func.func @transform_13(%arg0: i32) -> (i32, i32) {
    %c0_i32 = arith.constant 0 : i32
    %c0_i32_0 = arith.constant 0 : i32
    return %arg0, %c0_i32 : i32, i32
  }
}

module attributes {stable_mosaic.version = 14 : i64} {
  func.func @_final_kernel(%arg0: memref<4096x325xf32, #tpu.memory_space<vmem>>, %arg1: memref<1x325xf32, #tpu.memory_space<vmem>>, %arg2: memref<4096x1xf32, #tpu.memory_space<vmem>>) attributes {dimension_semantics = [], scalar_prefetch = 0 : i64, scratch_operands = 0 : i64, tpu.core_type = #tpu.core_type<tc>} {
    %get3A = arith.constant 0 : index
    %get3A_0 = arith.constant 0 : index
    %get3A_1 = vector.load %arg0[%get3A, %get3A_0] : memref<4096x325xf32, #tpu.memory_space<vmem>>, vector<4096x325xf32>
    %reduce_sum3A = arith.constant dense<0.000000e+00> : vector<325xf32>
    %reduce_sum3A_2 = vector.multi_reduction <add>, %get3A_1, %reduce_sum3A [0] : vector<4096x325xf32> to vector<325xf32>
    %broadcast_in_dim3A = vector.shape_cast %reduce_sum3A_2 : vector<325xf32> to vector<1x325xf32>
    %div3A = arith.constant 4.096000e+03 : f32
    %div3A_3 = vector.broadcast %div3A : f32 to vector<1x325xf32>
    %div3A_4 = arith.divf %broadcast_in_dim3A, %div3A_3 : vector<1x325xf32>
    %sub3A = vector.broadcast %div3A_4 : vector<1x325xf32> to vector<4096x325xf32>
    %sub3A_5 = arith.subf %get3A_1, %sub3A : vector<4096x325xf32>
    %integer_pow3A = arith.mulf %sub3A_5, %sub3A_5 : vector<4096x325xf32>
    %reduce_sum3A_6 = arith.constant dense<0.000000e+00> : vector<325xf32>
    %reduce_sum3A_7 = vector.multi_reduction <add>, %integer_pow3A, %reduce_sum3A_6 [0] : vector<4096x325xf32> to vector<325xf32>
    %broadcast_in_dim3A_8 = vector.shape_cast %reduce_sum3A_7 : vector<325xf32> to vector<1x325xf32>
    %div3A_9 = arith.constant 4.096000e+03 : f32
    %div3A_10 = vector.broadcast %div3A_9 : f32 to vector<1x325xf32>
    %div3A_11 = arith.divf %broadcast_in_dim3A_8, %div3A_10 : vector<1x325xf32>
    %get3A_12 = arith.constant 0 : index
    %get3A_13 = arith.constant 0 : index
    %get3A_14 = vector.load %arg1[%get3A_12, %get3A_13] : memref<1x325xf32, #tpu.memory_space<vmem>>, vector<1x325xf32>
    %tanh3A = math.tanh %get3A_14 : vector<1x325xf32>
    %add3A = arith.constant 1.000000e-03 : f32
    %add3A_15 = vector.broadcast %add3A : f32 to vector<1x325xf32>
    %add3A_16 = arith.addf %div3A_11, %add3A_15 : vector<1x325xf32>
    %sqrt3A = math.sqrt %add3A_16 : vector<1x325xf32>
    %div3A_17 = arith.divf %tanh3A, %sqrt3A : vector<1x325xf32>
    %mul3A = vector.broadcast %div3A_17 : vector<1x325xf32> to vector<4096x325xf32>
    %mul3A_18 = arith.mulf %get3A_1, %mul3A : vector<4096x325xf32>
    %reduce_sum3A_19 = arith.constant dense<0.000000e+00> : vector<4096xf32>
    %reduce_sum3A_20 = vector.multi_reduction <add>, %mul3A_18, %reduce_sum3A_19 [1] : vector<4096x325xf32> to vector<4096xf32>
    %broadcast_in_dim3A_21 = vector.shape_cast %reduce_sum3A_20 : vector<4096xf32> to vector<4096x1xf32>
    %mul3A_22 = arith.mulf %div3A_17, %div3A_4 : vector<1x325xf32>
    %reduce_sum3A_23 = vector.shape_cast %mul3A_22 : vector<1x325xf32> to vector<1x1x325xf32>
    %reduce_sum3A_24 = arith.constant dense<0.000000e+00> : vector<1xf32>
    %reduce_sum3A_25 = vector.multi_reduction <add>, %reduce_sum3A_23, %reduce_sum3A_24 [1, 2] : vector<1x1x325xf32> to vector<1xf32>
    %reduce_sum3A_26 = vector.shape_cast %reduce_sum3A_25 : vector<1xf32> to vector<1x1x1xf32>
    %reduce_sum3A_27 = vector.extract %reduce_sum3A_26[0, 0, 0] : f32 from vector<1x1x1xf32>
    %sub3A_28 = vector.broadcast %reduce_sum3A_27 : f32 to vector<4096x1xf32>
    %sub3A_29 = arith.subf %broadcast_in_dim3A_21, %sub3A_28 : vector<4096x1xf32>
    %swap3A = arith.constant 0 : index
    %swap3A_30 = arith.constant 0 : index
    %swap3A_31 = vector.load %arg2[%swap3A, %swap3A_30] : memref<4096x1xf32, #tpu.memory_space<vmem>>, vector<4096x1xf32>
    tpu.vector_store %arg2[%swap3A, %swap3A_30], %sub3A_29 {strides = array<i32>} : memref<4096x1xf32, #tpu.memory_space<vmem>>, vector<4096x1xf32>,
    return
  }
}

</mosaic_0001>

<sc_bundles>
// kernel: kernel.6.cloned.1.call-start
scs
__scs_entry_jumppad:
0x0: {  	(pc) =	sbr.rel $0x88, $3  }
0x1: {  	(tag) =	ssettag $0x0;
	lr =	simm.s32 $0x1  }
0x2: {  	[smem:$0x3F9B] =	sst lr;
	_ =	strace $0xD0000000  }
0x3: {  	_ = 	snop  }
0x4: {  	_ = 	snop  }
0x5: {  	_ = 	snop  }
0x6: {  	_ = 	snop  }
0x7: {  	_ = 	snop  }
__scs_overlays_trampoline_lowered:
0x8: {  	[smem:$0x3FAA] =	sst s0  }
0x9: {  	[smem:$0x3FAB] =	sst s1  }
0xa: {  	[smem:$0x3FAC] =	sst s2  }
0xb: {  	[smem:$0x3FAD] =	sst s3  }
0xc: {  	[smem:$0x3FAE] =	sst s4  }
0xd: {  	[smem:$0x3FAF] =	sst s5  }
0xe: {  	[smem:$0x3FB0] =	sst s6  }
0xf: {  	[smem:$0x3FB1] =	sst s7  }
0x10: {  	[smem:$0x3FB2] =	sst s8  }
0x11: {  	[smem:$0x3FB3] =	sst s9;
	s0 =	simm.s32 @!p0 $0x0  }
0x12: {  	s1 =	sld [smem:$0x3F99];
	s0 =	simm.s32 @p0 $0x1  }
0x13: {  	[smem:$0x3FB4] =	sst s0;
	s0 =	simm.s32 @!p1 $0x0  }
0x14: {  	s2 =	sld [smem:$0x3F98];
	s0 =	simm.s32 @p1 $0x1  }
0x15: {  	[smem:$0x3FB5] =	sst s0;
	s0 =	simm.s32 @!p2 $0x0  }
0x16: {  	s3 =	sld [smem:$0x3FDB];
	s0 =	simm.s32 @p2 $0x1  }
0x17: {  	s4 =	simm.s32 $0x1BF5;
	[smem:$0x3FB7] =	sst s0  }
0x18: {  	s0 =	sld [smem:$0x3F9A];
	_ =	swait.ge [sflag:s4], $0x0  }
0x19: {  	s7 =	sld [smem:$0x3F9B]  }
0x1a: {  	s8 =	sadd.s32 $0xFFFFE003, lr  }
0x1b: {  	s9 =	sadd.s32 $0xFFFFFEF7, lr;
	s5 =	simm.s32 $0xFFFFFFFF;
	p2 =	slt.u32 s8, $0xFFFFF086  }
0x1c: {  	p1 =	slt.u32 s9, $0xF7A;
	s5 =	simm.s32 @!p2 $0x0  }
0x1d: {  	s5 =	simm.s32 @p1 $0x1;
	p0 =	seq.s32 s7, s2  }
0x1e: {  	s7 =	smul.u32 @!p0 $0xF7A, s2;
	p2 =	seq.s32 @!p0 s5, $0x0  }
0x1f: {  	s9 =	smul.u32 $0xF7A, s1;
	s8 =	simm.s32 @!p0 $0x1BF5;
	p2 =	por !p2, p0  }
0x20: {  	[sflag:s8] =	ssyncset.s32 @!p0 $0xFFFFF086;
	s6 =	sadd.s32 @!p0 s3, s7;
	s7 =	simm.s32 @!p0 $0x108  }
0x21: {  	s3 =	sadd.s32 s3, s9;
	s6 =	sadd.s32 @!p0 $0x88, s6;
	s7 =	simm.s32 @p2 $0x1082  }
0x22: {  	[simem:s7], [sflag:s8] =	dma.local @!p0 [hbm:s6], $0xF7A  }
0x23: {  	s9 =	sor.u32 $0xD0000000, s2;
	s6 =	simm.s32 $0x108;
	_ =	swait.ge @!p0 [sflag:s8], $0x0  }
0x24: {  	s3 =	sadd.s32 $0x88, s3;
	s6 =	simm.s32 @!p1 $0x1082;
	[sflag:s4] =	ssyncset.s32 $0xFFFFF086  }
0x25: {  	[simem:s6], [sflag:s4] =	dma.local [hbm:s3], $0xF7A  }
0x26: {  	[smem:$0x3F9B] =	sst s1;
	(tag) =	ssettag s2;
	_ =	strace s9  }
0x27: {  	s1 =	sld [smem:$0x3FAB]  }
0x28: {  	s2 =	sld [smem:$0x3FAC]  }
0x29: {  	s4 =	sld [smem:$0x3FAE]  }
0x2a: {  	p0 =	seq.s32 s5, $0x0;
	s5 =	sld [smem:$0x3FAF]  }
0x2b: {  	s6 =	sld [smem:$0x3FB0]  }
0x2c: {  	s7 =	sld [smem:$0x3FB1]  }
0x2d: {  	s3 =	simm.s32 $0x108;
	s8 =	sld [smem:$0x3FB2]  }
0x2e: {  	s3 =	simm.s32 @!p0 $0x1082;
	s9 =	sld [smem:$0x3FB3]  }
0x2f: {  	lr =	sadd.s32 s0, s3;
	s0 =	sld [smem:$0x3FAA]  }
0x30: {  	s3 =	sld [smem:$0x3FAD]  }
0x31: {  	[smem:$0x3FB6] =	sst s10  }
0x32: {  	s10 =	sld [smem:$0x3FB4];
	_ =	sdelay $0x3  }
0x33: {  	p0 =	seq.s32 s10, $0x1;
	s10 =	sld [smem:$0x3FB6];
	_ =	sdelay $0x3  }
0x34: {  	[smem:$0x3FB6] =	sst s10  }
0x35: {  	s10 =	sld [smem:$0x3FB5];
	_ =	sdelay $0x3  }
0x36: {  	p1 =	seq.s32 s10, $0x1;
	s10 =	sld [smem:$0x3FB6];
	_ =	sdelay $0x3  }
0x37: {  	[smem:$0x3FB6] =	sst s10  }
0x38: {  	s10 =	sld [smem:$0x3FB7]  }
0x39: {  	_ = 	snop;
	(pc) =	sbr.ind lr, $3  }
0x3a: {  	_ = 	snop  }
0x3b: {  	_ = 	snop  }
0x3c: {  	p2 =	seq.s32 s10, $0x1;
	s10 =	sld [smem:$0x3FB6]  }
0x3d: {  	_ =	shalt  }
0x3e: {  	_ =	shalt  }
0x3f: {  	_ =	shalt  }
0x40: {  	_ =	shalt  }
0x41: {  	_ =	shalt  }
0x42: {  	_ =	shalt  }
0x43: {  	_ =	shalt  }
0x44: {  	_ =	shalt  }
0x45: {  	_ =	shalt  }
0x46: {  	_ =	shalt  }
0x47: {  	_ =	shalt  }
0x48: {  	_ =	shalt  }
0x49: {  	_ =	shalt  }
0x4a: {  	_ =	shalt  }
0x4b: {  	_ =	shalt  }
0x4c: {  	_ =	shalt  }
0x4d: {  	_ =	shalt  }
0x4e: {  	_ =	shalt  }
0x4f: {  	_ =	shalt  }
0x50: {  	_ =	shalt  }
0x51: {  	_ =	shalt  }
0x52: {  	_ =	shalt  }
0x53: {  	_ =	shalt  }
0x54: {  	_ =	shalt  }
0x55: {  	_ =	shalt  }
0x56: {  	_ =	shalt  }
0x57: {  	_ =	shalt  }
0x58: {  	_ =	shalt  }
0x59: {  	_ =	shalt  }
0x5a: {  	_ =	shalt  }
0x5b: {  	_ =	shalt  }
0x5c: {  	_ =	shalt  }
0x5d: {  	_ =	shalt  }
0x5e: {  	_ =	shalt  }
0x5f: {  	_ =	shalt  }
0x60: {  	_ =	shalt  }
0x61: {  	_ =	shalt  }
0x62: {  	_ =	shalt  }
0x63: {  	_ =	shalt  }
0x64: {  	_ =	shalt  }
0x65: {  	_ =	shalt  }
0x66: {  	_ =	shalt  }
0x67: {  	_ =	shalt  }
0x68: {  	_ =	shalt  }
0x69: {  	_ =	shalt  }
0x6a: {  	_ =	shalt  }
0x6b: {  	_ =	shalt  }
0x6c: {  	_ =	shalt  }
0x6d: {  	_ =	shalt  }
0x6e: {  	_ =	shalt  }
0x6f: {  	_ =	shalt  }
0x70: {  	_ =	shalt  }
0x71: {  	_ =	shalt  }
0x72: {  	_ =	shalt  }
0x73: {  	_ =	shalt  }
0x74: {  	_ =	shalt  }
0x75: {  	_ =	shalt  }
0x76: {  	_ =	shalt  }
0x77: {  	_ =	shalt  }
0x78: {  	_ =	shalt  }
0x79: {  	_ =	shalt  }
0x7a: {  	_ =	shalt  }
0x7b: {  	_ =	shalt  }
0x7c: {  	_ =	shalt  }
0x7d: {  	_ =	shalt  }
0x7e: {  	_ =	shalt  }
0x7f: {  	_ =	shalt  }
0x80: {  	_ =	shalt  }
0x81: {  	_ =	shalt  }
0x82: {  	_ =	shalt  }
0x83: {  	_ =	shalt  }
0x84: {  	_ =	shalt  }
0x85: {  	_ =	shalt  }
0x86: {  	_ =	shalt  }
0x87: {  	_ =	shalt  }
.Lfunc_end0:
.L_simem_size_0:
called_computation_lowered:
.L_overlay_start_0:
0x88: {  	s2 =	sld [smem:$0x3FD9]  }
0x89: {  	s3 =	sld [smem:$0x3FFE];
	_ =	sdelay $0x1  }
0x8a: {  	s1 =	srdreg.scid  }
0x8b: {  	s0 =	sand.u32 $0x1, s1  }
0x8c: {  	s16 =	sshll.u32 s0, $0xA;
	s2 =	sadd.s32 s3, s2  }
0x8d: {  	s2 =	sadd.s32 s2, s16  }
0x8e: {  	[smem:$0x3FC2] =	sst s2  }
0x8f: {  	_ = 	snop  }
0x90: {  	(tm) =	ssettm $0x1  }
0x91: {  	s17 =	sld [smem:$0x3FFB];
	_ =	sdelay $0x3  }
0x92: {  	_ =	strace s17  }
0x93: {  	s2 =	sld [smem:$0x3FFC];
	_ =	sdelay $0x3  }
0x94: {  	_ =	strace s2  }
0x95: {  	s2 =	sld [smem:$0x3FFD];
	_ =	sdelay $0x3  }
0x96: {  	_ =	strace s2  }
0x97: {  	_ =	strace $0x8FFFFFFF  }
0x98: {  	s18 =	sld [smem:$0x3FDB];
	_ =	sdelay $0x1  }
0x99: {  	s19 =	simm.s32 $_scs_section_size  }
0x9a: {  	s4 =	simm.s32 $_size__tile_overlayer_lowered;
	s5 =	simm.s32 $_tile_overlayer_lowered  }
0x9b: {  	s22 =	simm.s32 $0x1BFF;
	s21 =	sshll.u32 s5, $0x1;
	s2 =	sadd.s32 s19, s18  }
0x9c: {  	s6 =	simm.s32 $0x0;
	s20 =	sshll.u32 s4, $0x1;
	s4 =	sadd.s32 s21, s2  }
0x9d: {  	[timem:s6], [sflag:s22] =	dma.local [hbm:s4], s20  }
0x9e: {  	_ =	swait.ge [sflag:s22], s20  }
0x9f: {  	s3 =	ssub.s32 $0x0, s20;
	[sflag:s22] =	ssyncset.done $0x0  }
0xa0: {  	[sflag:s22] =	ssyncadd.s32 s3;
	_ =	sdelay $0x1  }
0xa1: {  	s23 =	simm.s32 $0x1B8B  }
0xa2: {  	_ =	swait.ge [sflag:s23], $0x1  }
0xa3: {  	[sflag:s23] =	ssyncset.done $0x0  }
0xa4: {  	s25 =	simm.s32 $0x1B8E;
	s24 =	sld [smem:$0x3FFE];
	[sflag:s23] =	ssyncadd.s32 $0xFFFFFFFF  }
0xa5: {  	s26 =	simm.s32 $execute0_lowered;
	[smem:$0x3FD2] =	sst s25  }
0xa6: {  	s4 =	sshll.u32 s26, $0x1;
	_ =	strace $0x80000046;
	[dreg:$0x1] =	wrdreg $0xFFFFFFFF  }
0xa7: {  	s28 =	simm.s32 $_size_execute0_lowered;
	s2 =	sadd.s32 s2, s4;
	[dreg:$0x0] =	wrdreg $0x0  }
0xa8: {  	s4 =	sshll.u32 s28, $0x1;
	[dreg:$0x2] =	wrdreg s2  }
0xa9: {  	[dreg:$0x3] =	wrdreg s4  }
0xaa: {  	[dreg:$0x4] =	wrdreg $0xC0  }
0xab: {  	_ =	task [dreg:s6], $0x5FFFF  }
0xac: {  	[dreg:$0x1] =	wrdreg $0xFFFFFFFF  }
0xad: {  	[dreg:$0x0] =	wrdreg $0x60  }
0xae: {  	[dreg:$0x2] =	wrdreg s24  }
0xaf: {  	[dreg:$0x3] =	wrdreg $0x9  }
0xb0: {  	_ =	task.clear_ibuf [dreg:s6], $0x4FFFF;
	_ =	strace $0x90000046  }
0xb1: {  	s29 =	simm.s32 $0x9;
	_ =	strace $0x80000048  }
0xb2: {  	_ =	swait.ge [sflag:s29], $0x1  }
0xb3: {  	[sflag:s29] =	ssyncadd.s32 $0xFFFFFFFF  }
0xb4: {  	_ =	strace $0x90000048  }
0xb5: {  	_ =	sfence  }
0xb6: {  	s30 =	sld [smem:$0x0];
	_ =	sdelay $0x2  }
0xb7: {  	s31 =	sshll.u32 s1, $0xD;
	s1 =	sshrl.u32 s1, $0x2  }
0xb8: {  	s3 =	sand.u32 $0x4000, s31;
	s1 =	sadd.s32 s1, s30  }
0xb9: {  	s0 =	sor.u32 s3, s0;
	s1 =	sshll.u32 s1, $0x11  }
0xba: {  	s0 =	sor.u32 s1, s0  }
0xbb: {  	s0 =	sadd.s32 $0x8F2B, s0  }
0xbc: {  	[sflag:s0] =	ssyncadd.remote.s32 $0x1  }
0xbd: {  	_ =	sfence.sel $0xFFFF  }
0xbe: {  	[dreg:$0x0] =	wrdreg $0xFFFFFFFF;
	(pc) =	sbr.abs _section_cstart, $3  }
0xbf: {  	[dreg:$0x1] =	wrdreg $0xFFFFFFFF  }
0xc0: {  	_ =	task.clear_ibuf [dreg:s6], $0x2FFFF;
	_ =	strace $0x9FFFFFFF  }
0xc1: {  	(tm) =	ssettm $0x7FFFFFFF  }
tec
execute0_lowered:
.L_overlay_start_1:
0x0: {  	(tag) =	ssettag $0x1  }
0x1: {  	s4 =	rddreg [dreg:$0x0]  }
0x2: {  	s0 =	rddreg [dreg:$0x1];
	s2 =	simm.s32 $0x0  }
0x3: {  	s1 =	stileid.u32;
	s3 =	srdreg.scid;
	s11 =	simm.s32 $0x6800  }
0x4: {  	s12 =	simm.s32 $0x0;
	[smem:$0x7FF] =	sst s2;
	s5 =	sshll.u32 s1, $0x5  }
0x5: {  	s6 =	sand.u32 $0x1, s3;
	s7 =	smul.u32 $0xD0000, s1;
	s3 =	sadd.s32 $0x2A00, s4  }
0x6: {  	_ =	strace $0x80000047;
	s8 =	sand.u32 $0x180, s5;
	s9 =	smul.u32 $0x68000, s6  }
0x7: {  	s10 =	sshll.u32 s6, $0x4;
	s6 =	ssub.s32 $0x2, s6;
	s8 =	sadd.s32 s8, s4  }
0x8: {  	s5 =	sor.u32 s10, s5;
	s29 =	sshrl.u32 s6, $0x1;
	s10 =	simm.s32 $0x400  }
0x9: {  	s7 =	sadd.s32 s9, s7;
	s5 =	sand.u32 $0x70, s5;
	s30 =	ssub.s32 s6, s29  }
0xa: {  	s9 =	simm.s32 $0x1;
	s7 =	sshrl.u32 s7, $0x3;
	s31 =	sadd.s32 s5, s8  }
0xb: {  	s8 =	simm.s32 $0x80;
	s7 =	sadd.s32 s7, s4;
	s4 =	smax.u32 s30, $0x1  }
0xc: {  	s6 =	sadd.s32 $0x4F9600, s31;
	s5 =	sadd.s32 $0x4FCA00, s7;
	s7 =	simm.s32 $0x2  }
.LBB2_1:
0xd: {  	[tilespmem:s2], [sflag:$0x2] =	stream.linear.gather [hbm4b:s6+s2], $0x80, $0x38;
	[tilespmem:$0x4080] =	vst v63  }
0xe: {  	_ =	swait.ge [sflag:s7], $0x80  }
0xf: {  	[sflag:s7] =	ssyncset.done $0x0  }
0x10: {  	[sflag:s7] =	ssyncadd.s32 $0xFFFFFF80  }
0x11: {  	[tilespmem:s8], [sflag:$0x1] =	stream.indirect.gather [hbm4b:s3+s8], $0x80, s2, s8, $0xb8;
	[tilespmem:$0x4080] =	vst v63  }
0x12: {  	_ =	swait.ge [sflag:s9], $0x4000  }
0x13: {  	[sflag:s9] =	ssyncset.done $0x0  }
0x14: {  	s13 =	sadd.s32 $0x0, s5;
	[sflag:s9] =	ssyncadd.s32 $0xFFFFC000  }
0x15: {  	[hbm4b:s13+s10] =	stream.strided.scatter [tilespmem:s8], [sflag:$0x2], $0x4000, s11, s10, $0x38;
	[tilespmem:$0x4080] =	vst v63  }
0x16: {  	_ =	swait.ge [sflag:s7], $0x4000  }
0x17: {  	s14 =	smov.u32 s6;
	s13 =	simm.s32 $0x80;
	[sflag:s7] =	ssyncset.done $0x0  }
.LBB2_2:
0x18: {  	p0 =	sne.s32 s13, $0xC80;
	[sflag:s7] =	ssyncadd.s32 $0xFFFFC000;
	s14 =	sadd.s32 $0x200, s14  }
0x19: {  	[tilespmem:s2], [sflag:$0x2] =	stream.linear.gather [hbm4b:s14+s2], $0x80, $0x38;
	[tilespmem:$0x4080] =	vst v63  }
0x1a: {  	s15 =	smov.u32 s13;
	s13 =	sadd.s32 $0x80, s13;
	_ =	swait.ge [sflag:s7], $0x80  }
0x1b: {  	[sflag:s7] =	ssyncset.done $0x0  }
0x1c: {  	[sflag:s7] =	ssyncadd.s32 $0xFFFFFF80  }
0x1d: {  	[tilespmem:s8], [sflag:$0x1] =	stream.indirect.gather [hbm4b:s3+s8], $0x80, s2, s8, $0xb8;
	[tilespmem:$0x4080] =	vst v63  }
0x1e: {  	_ =	swait.ge [sflag:s9], $0x4000  }
.Ltmp0:
0x1f: {  	[sflag:s9] =	ssyncset.done $0x0;
	(pc) =	sbr.rel @p0 .LBB2_2-.Ltmp0, $4  }
0x20: {  	s15 =	sadd.s32 s15, s5;
	[sflag:s9] =	ssyncadd.s32 $0xFFFFC000  }
0x21: {  	[hbm4b:s15+s10] =	stream.strided.scatter [tilespmem:s8], [sflag:$0x2], $0x4000, s11, s10, $0x38;
	[tilespmem:$0x4080] =	vst v63  }
0x22: {  	_ =	swait.ge [sflag:s7], $0x4000  }
0x23: {  	[sflag:s7] =	ssyncset.done $0x0  }
0x24: {  	s12 =	sadd.s32 $0x1, s12  }
0x25: {  	p0 =	sne.s32 s12, s4  }
.Ltmp1:
0x26: {  	_ = 	snop;
	(pc) =	sbr.rel @p0 .LBB2_1-.Ltmp1, $2  }
0x27: {  	_ =	sdelay $0x2  }
0x28: {  	[sflag:s7] =	ssyncadd.s32 $0xFFFFC000  }
0x29: {  	_ =	sfence.sel $0x180000  }
0x2a: {  	[bflag:$0x0] =	sbarrier.arrive $0xFFFF  }
0x2b: {  	p0 =	sne.s32 s1, $0x0;
	_ =	strace $0x90000047  }
0x2c: {  	s0 =	sadd.s32 @!p0 $0x100000, s0;
	[bflag:$0x2] =	sbarrier.arrive $0xFFFF  }
0x2d: {  	[sflag:s0] =	ssyncadd.tile.s32 @!p0 $0x1;
	_ =	shalt  }
.Lfunc_end2:
_tile_overlayer_lowered:
.L_overlay_start_2:
0x2e: {  	(tag) =	ssettag $0x2  }
0x2f: {  	s0 =	rddreg [dreg:$0x0];
	s2 =	stileid.u32  }
0x30: {  	s1 =	rddreg [dreg:$0x1];
	p0 =	sne.s32 s2, $0x0  }
0x31: {  	s3 =	rddreg [dreg:$0x2];
	[bflag:$0x3] =	sbarrier.arrive $0xFFFF;
	s2 =	simm.s32 @!p0 $0x1C02  }
0x32: {  	[timem:s3], [sflag:s2] =	dma.local @!p0 [hbm:s0], s1  }
0x33: {  	s0 =	simm.s32 @!p0 $0x2  }
0x34: {  	_ =	swait.ge @!p0 [sflag:s0], s1  }
0x35: {  	s1 =	ssub.s32 @!p0 $0x0, s1;
	[sflag:s0] =	ssyncset.done @!p0 $0x0  }
0x36: {  	[sflag:s0] =	ssyncadd.s32 @!p0 s1  }
0x37: {  	[bflag:$0x3] =	sbarrier.arrive $0xFFFF  }
0x38: {  	_ =	shalt  }

</sc_bundles>
